<compile_context>
chip_gen: v7x
topology: tpu7x:2x2x1
jax: 0.10.2.dev20260603
libtpu: 0.0.44.dev20260713+nightly
codegen_flags: <defaults>
</compile_context>

<pallas_src>
import functools

import jax
import jax.numpy as jnp
from jax import lax
from jax.experimental import pallas as pl
from jax.experimental.pallas import tpu as pltpu
from jax.experimental.pallas import tpu_sc as plsc

VOCAB = 100000
EMBED_DIM = 128
OUTPUT_DIM = 1024
BATCH = 16384
SEQ = 20
LANES = 16
ND = EMBED_DIM // LANES

NC = 2
NS = 16
NW = NC * NS
BPW = BATCH // NW
CB = 4
G = CB * SEQ
NCHUNK = BPW // CB

_mesh = plsc.VectorSubcoreMesh(core_axis_name="c", subcore_axis_name="s")


@functools.partial(
    pl.kernel,
    out_type=jax.ShapeDtypeStruct((BATCH, EMBED_DIM), jnp.float32),
    mesh=_mesh,
    scratch_types=[
        pltpu.VMEM((NCHUNK, G), jnp.int32),
        pltpu.VMEM((2, G, EMBED_DIM), jnp.float32),
        pltpu.VMEM((BPW, EMBED_DIM), jnp.float32),
        pltpu.SemaphoreType.DMA,
        pltpu.SemaphoreType.DMA,
    ],
)
def _pool(text_hbm, table_hbm, out_hbm, idx_v, rows_v, pooled_v, *gsems):
    cid = lax.axis_index("c")
    sid = lax.axis_index("s")
    wid = sid * NC + cid

    pltpu.sync_copy(text_hbm.at[wid], idx_v)

    for p in range(2):
        pltpu.async_copy(table_hbm.at[idx_v.at[p]], rows_v.at[p], gsems[p])

    def _chunk_body(k, carry):
        for p in range(2):
            c = 2 * k + p
            buf = rows_v.at[p]
            pltpu.make_async_copy(table_hbm.at[idx_v.at[c]], buf, gsems[p]).wait()

            @pl.when(c + 2 < NCHUNK)
            def _():
                pltpu.async_copy(table_hbm.at[idx_v.at[c + 2]], buf, gsems[p])

        return carry

    lax.fori_loop(0, NCHUNK // 2, _chunk_body, 0)
    pltpu.sync_copy(pooled_v, out_hbm.at[pl.ds(wid * BPW, BPW)])


_BM = 256


def _mm_body(x_ref, w_ref, b_ref, o_ref):
    x = x_ref[...] * jnp.float32(1.0 / SEQ)
    acc = lax.dot_general(x, w_ref[...], (((1,), (1,)), ((), ())),
                          preferred_element_type=jnp.float32)
    o_ref[...] = acc + b_ref[...]


_matmul = pl.pallas_call(
    _mm_body,
    grid=(BATCH // _BM,),
    in_specs=[
        pl.BlockSpec((_BM, EMBED_DIM), lambda i: (i, 0)),
        pl.BlockSpec((OUTPUT_DIM, EMBED_DIM), lambda i: (0, 0)),
        pl.BlockSpec((1, OUTPUT_DIM), lambda i: (0, 0)),
    ],
    out_specs=pl.BlockSpec((_BM, OUTPUT_DIM), lambda i: (i, 0)),
    out_shape=jax.ShapeDtypeStruct((BATCH, OUTPUT_DIM), jnp.float32),
)


def kernel(text, embedding_table, fc_weight, fc_bias):
    text = text.astype(jnp.int32).reshape(NW, NCHUNK, G)
    sums = _pool(text, embedding_table)
    return _matmul(sums, fc_weight, fc_bias.reshape(1, OUTPUT_DIM))

# --- scband reference (transcript-rebuilt; emitter-appended) ---
"""Pipeline reference for scband-feed-forward-net-7387343749455 (READ-ONLY COPY).

The authoritative reference and input builder live on the scoring server;
editing this copy changes nothing except your own understanding.
"""

import jax, jax.numpy as jnp
import numpy as np

VOCAB = 100000
EMBED_DIM = 128
OUTPUT_DIM = 1024
BATCH = 16384
SEQ = 20
PADDING_IDX = 0

def setup_inputs(seed: int = 0) -> dict:
    key = jax.random.key(seed)
    k1, k2, k3 = jax.random.split(key, 3)
    text = jax.random.randint(k1, (BATCH, SEQ), 0, VOCAB, dtype=jnp.int64 if jax.config.jax_enable_x64 else jnp.int32)
    embedding_table = jax.random.normal(k2, (VOCAB, EMBED_DIM), dtype=jnp.float32)
    embedding_table = embedding_table.at[PADDING_IDX].set(0.0)  # nn.Embedding padding_idx row is zeroed
    fc_weight = jax.random.normal(k3, (OUTPUT_DIM, EMBED_DIM), dtype=jnp.float32) * 0.02
    fc_bias = jnp.zeros((OUTPUT_DIM,), dtype=jnp.float32)
    return {"text": text, "embedding_table": embedding_table, "fc_weight": fc_weight, "fc_bias": fc_bias}

def reference(text, embedding_table, fc_weight, fc_bias):
    # embedded = self.embedding(text)
    embedded = jnp.take(embedding_table, text, axis=0)  # [B, L, D]
    # pooled = embedded.mean(dim=1)
    pooled = embedded.mean(axis=1)  # [B, D]
    # return self.fc(pooled)
    return pooled @ fc_weight.T + fc_bias  # [B, OUTPUT_DIM]

if __name__ == "__main__":
    import jax
    _d = setup_inputs()
    print(jax.jit(kernel)(*tuple(_d.values())))

</pallas_src>

<mosaic_0001>
#map = affine_map<(d0, d1) -> (0, 0, 0)>
#map1 = affine_map<(d0, d1) -> (0, 0)>
module attributes {stable_mosaic.version = 14 : i64} {
  func.func @_pool(%arg0: i32, %arg1: i32, %arg2: memref<32x128x80xi32, #tpu.memory_space<hbm>>, %arg3: memref<100000x128xf32, #tpu.memory_space<hbm>>, %arg4: memref<16384x128xf32, #tpu.memory_space<hbm>>, %arg5: memref<128x80xi32, #tpu.memory_space<vmem>>, %arg6: memref<2x80x128xf32, #tpu.memory_space<vmem>>, %arg7: memref<512x128xf32, #tpu.memory_space<vmem>>, %arg8: memref<!tpu.dma_semaphore, #tpu.memory_space<semaphore_mem>>, %arg9: memref<!tpu.dma_semaphore, #tpu.memory_space<semaphore_mem>>) attributes {dimension_semantics = [#tpu.dimension_semantics<core_parallel>, #tpu.dimension_semantics<subcore_parallel>], iteration_bounds = array<i64: 2, 16>, scalar_prefetch = 0 : i64, scratch_operands = 5 : i64, tpu.core_type = #tpu.core_type<sc_vector_subcore>, window_params = [{transform_indices = #map}, {transform_indices = #map1}, {transform_indices = #map1}]} {
    %mul3A = arith.constant 2 : i32
    %mul3A_0 = arith.muli %arg1, %mul3A : i32
    %add3A = arith.addi %mul3A_0, %arg0 : i32
    "tpu.region"() ({
      %run_scoped3A = tpu.sem_alloc : memref<!tpu.dma_semaphore, #tpu.memory_space<semaphore_mem>>
      %dma_start3A_31 = arith.constant 0 : i32
      %dma_start3A_32 = arith.constant 0 : i32
      %dma_start3A_33 = tpu.memref_slice %arg2[%add3A, %dma_start3A_31, %dma_start3A_32] : memref<32x128x80xi32, #tpu.memory_space<hbm>> -> memref<1x128x80xi32, #tpu.memory_space<hbm>>
      %dma_start3A_34 = tpu.memref_squeeze %dma_start3A_33 : memref<1x128x80xi32, #tpu.memory_space<hbm>> -> memref<128x80xi32, #tpu.memory_space<hbm>>
      %dma_start3A_35 = arith.constant 0 : i32
      %dma_start3A_36 = arith.constant 0 : i32
      %dma_start3A_37 = tpu.memref_slice %arg2[%add3A, %dma_start3A_35, %dma_start3A_36] : memref<32x128x80xi32, #tpu.memory_space<hbm>> -> memref<1x128x80xi32, #tpu.memory_space<hbm>>
      %dma_start3A_38 = tpu.memref_squeeze %dma_start3A_37 : memref<1x128x80xi32, #tpu.memory_space<hbm>> -> memref<128x80xi32, #tpu.memory_space<hbm>>
      tpu.enqueue_dma source(%dma_start3A_38 : memref<128x80xi32, #tpu.memory_space<hbm>>) target(%arg5 : memref<128x80xi32, #tpu.memory_space<vmem>>) target_semaphore(%run_scoped3A : memref<!tpu.dma_semaphore, #tpu.memory_space<semaphore_mem>>)
      %dma_wait3A = arith.constant 0 : i32
      %dma_wait3A_39 = arith.constant 0 : i32
      %dma_wait3A_40 = tpu.memref_slice %arg2[%add3A, %dma_wait3A, %dma_wait3A_39] : memref<32x128x80xi32, #tpu.memory_space<hbm>> -> memref<1x128x80xi32, #tpu.memory_space<hbm>>
      %dma_wait3A_41 = tpu.memref_squeeze %dma_wait3A_40 : memref<1x128x80xi32, #tpu.memory_space<hbm>> -> memref<128x80xi32, #tpu.memory_space<hbm>>
      %dma_wait3A_42 = arith.constant 0 : i32
      %dma_wait3A_43 = arith.constant 0 : i32
      %dma_wait3A_44 = tpu.memref_slice %arg2[%add3A, %dma_wait3A_42, %dma_wait3A_43] : memref<32x128x80xi32, #tpu.memory_space<hbm>> -> memref<1x128x80xi32, #tpu.memory_space<hbm>>
      %dma_wait3A_45 = tpu.memref_squeeze %dma_wait3A_44 : memref<1x128x80xi32, #tpu.memory_space<hbm>> -> memref<128x80xi32, #tpu.memory_space<hbm>>
      tpu.wait_dma2 semaphore(%run_scoped3A : memref<!tpu.dma_semaphore, #tpu.memory_space<semaphore_mem>>) src(%dma_wait3A_45 : memref<128x80xi32, #tpu.memory_space<hbm>>) dst(%arg5 : memref<128x80xi32, #tpu.memory_space<vmem>>)
      tpu.yield
    }) : () -> ()
    %dma_start3A = arith.constant 0 : i32
    %dma_start3A_1 = arith.constant 0 : i32
    %dma_start3A_2 = arith.constant 0 : i32
    %dma_start3A_3 = arith.constant 0 : i32
    %dma_start3A_4 = tpu.memref_slice %arg6[%dma_start3A_1, %dma_start3A_2, %dma_start3A_3] : memref<2x80x128xf32, #tpu.memory_space<vmem>> -> memref<1x80x128xf32, #tpu.memory_space<vmem>>
    %dma_start3A_5 = tpu.memref_squeeze %dma_start3A_4 : memref<1x80x128xf32, #tpu.memory_space<vmem>> -> memref<80x128xf32, #tpu.memory_space<vmem>>
    %dma_start3A_6 = arith.constant 0 : i32
    %dma_start3A_7 = tpu.memref_slice %arg5[%dma_start3A, %dma_start3A_6] : memref<128x80xi32, #tpu.memory_space<vmem>> -> memref<1x80xi32, #tpu.memory_space<vmem>>
    %dma_start3A_8 = tpu.memref_squeeze %dma_start3A_7 : memref<1x80xi32, #tpu.memory_space<vmem>> -> memref<80xi32, #tpu.memory_space<vmem>>
    %dma_start3A_9 = arith.constant 0 : i32
    %dma_start3A_10 = arith.constant 0 : i32
    %dma_start3A_11 = tpu.memref_slice %arg3[%dma_start3A_9, %dma_start3A_10] : memref<100000x128xf32, #tpu.memory_space<hbm>> -> memref<100000x128xf32, #tpu.memory_space<hbm>>
    tpu.enqueue_indirect_dma source(%dma_start3A_11 : memref<100000x128xf32, #tpu.memory_space<hbm>>) target(%dma_start3A_5 : memref<80x128xf32, #tpu.memory_space<vmem>>) offsets(%dma_start3A_8 : memref<80xi32, #tpu.memory_space<vmem>>) semaphore(%arg8 : memref<!tpu.dma_semaphore, #tpu.memory_space<semaphore_mem>>)
    %dma_start3A_12 = arith.constant 1 : i32
    %dma_start3A_13 = arith.constant 1 : i32
    %dma_start3A_14 = arith.constant 0 : i32
    %dma_start3A_15 = arith.constant 0 : i32
    %dma_start3A_16 = tpu.memref_slice %arg6[%dma_start3A_13, %dma_start3A_14, %dma_start3A_15] : memref<2x80x128xf32, #tpu.memory_space<vmem>> -> memref<1x80x128xf32, #tpu.memory_space<vmem>>
    %dma_start3A_17 = tpu.memref_squeeze %dma_start3A_16 : memref<1x80x128xf32, #tpu.memory_space<vmem>> -> memref<80x128xf32, #tpu.memory_space<vmem>>
    %dma_start3A_18 = arith.constant 0 : i32
    %dma_start3A_19 = tpu.memref_slice %arg5[%dma_start3A_12, %dma_start3A_18] : memref<128x80xi32, #tpu.memory_space<vmem>> -> memref<1x80xi32, #tpu.memory_space<vmem>>
    %dma_start3A_20 = tpu.memref_squeeze %dma_start3A_19 : memref<1x80xi32, #tpu.memory_space<vmem>> -> memref<80xi32, #tpu.memory_space<vmem>>
    %dma_start3A_21 = arith.constant 0 : i32
    %dma_start3A_22 = arith.constant 0 : i32
    %dma_start3A_23 = tpu.memref_slice %arg3[%dma_start3A_21, %dma_start3A_22] : memref<100000x128xf32, #tpu.memory_space<hbm>> -> memref<100000x128xf32, #tpu.memory_space<hbm>>
    tpu.enqueue_indirect_dma source(%dma_start3A_23 : memref<100000x128xf32, #tpu.memory_space<hbm>>) target(%dma_start3A_17 : memref<80x128xf32, #tpu.memory_space<vmem>>) offsets(%dma_start3A_20 : memref<80xi32, #tpu.memory_space<vmem>>) semaphore(%arg9 : memref<!tpu.dma_semaphore, #tpu.memory_space<semaphore_mem>>)
    %scan3A = arith.constant 0 : i32
    %scan3A_24 = arith.constant 0 : i32
    %scan3A_25 = arith.constant 64 : i32
    %scan3A_26 = arith.addi %scan3A_24, %scan3A_25 : i32
    %scan3A_27 = arith.constant 1 : i32
    scf.for %scan3A_31 = %scan3A_24 to %scan3A_26 step %scan3A_27  : i32 {
      %mul3A_32 = arith.constant 2 : i32
      %mul3A_33 = arith.muli %mul3A_32, %scan3A_31 : i32
      %add3A_34 = arith.constant 0 : i32
      %add3A_35 = arith.addi %mul3A_33, %add3A_34 : i32
      %dma_wait3A = arith.constant 0 : i32
      %dma_wait3A_36 = arith.constant 0 : i32
      %dma_wait3A_37 = arith.constant 0 : i32
      %dma_wait3A_38 = tpu.memref_slice %arg6[%dma_wait3A, %dma_wait3A_36, %dma_wait3A_37] : memref<2x80x128xf32, #tpu.memory_space<vmem>> -> memref<1x80x128xf32, #tpu.memory_space<vmem>>
      %dma_wait3A_39 = tpu.memref_squeeze %dma_wait3A_38 : memref<1x80x128xf32, #tpu.memory_space<vmem>> -> memref<80x128xf32, #tpu.memory_space<vmem>>
      %dma_wait3A_40 = arith.constant 0 : i32
      %dma_wait3A_41 = tpu.memref_slice %arg5[%add3A_35, %dma_wait3A_40] : memref<128x80xi32, #tpu.memory_space<vmem>> -> memref<1x80xi32, #tpu.memory_space<vmem>>
      %dma_wait3A_42 = tpu.memref_squeeze %dma_wait3A_41 : memref<1x80xi32, #tpu.memory_space<vmem>> -> memref<80xi32, #tpu.memory_space<vmem>>
      %dma_wait3A_43 = arith.constant 0 : i32
      %dma_wait3A_44 = arith.constant 0 : i32
      %dma_wait3A_45 = tpu.memref_slice %arg3[%dma_wait3A_43, %dma_wait3A_44] : memref<100000x128xf32, #tpu.memory_space<hbm>> -> memref<100000x128xf32, #tpu.memory_space<hbm>>
      tpu.wait_indirect_dma semaphore(%arg8 : memref<!tpu.dma_semaphore, #tpu.memory_space<semaphore_mem>>) src(%dma_wait3A_45 : memref<100000x128xf32, #tpu.memory_space<hbm>>) dst(%dma_wait3A_39 : memref<80x128xf32, #tpu.memory_space<vmem>>)
      %add3A_46 = arith.constant 2 : i32
      %add3A_47 = arith.addi %add3A_35, %add3A_46 : i32
      %lt3A = arith.constant 128 : i32
      %lt3A_48 = arith.cmpi slt, %add3A_47, %lt3A : i32
      %convert_element_type3A = arith.extui %lt3A_48 : i1 to i32
      %cond3A = arith.constant 0 : i32
      %cond3A_49 = arith.constant 0 : i32
      %cond3A_50 = arith.cmpi ne, %convert_element_type3A, %cond3A_49 : i32
      scf.if %cond3A_50 {
        %add3A_74 = arith.constant 2 : i32
        %add3A_75 = arith.addi %add3A_35, %add3A_74 : i32
        %dma_start3A_76 = arith.constant 0 : i32
        %dma_start3A_77 = arith.constant 0 : i32
        %dma_start3A_78 = tpu.memref_slice %arg6[%cond3A, %dma_start3A_76, %dma_start3A_77] : memref<2x80x128xf32, #tpu.memory_space<vmem>> -> memref<1x80x128xf32, #tpu.memory_space<vmem>>
        %dma_start3A_79 = tpu.memref_squeeze %dma_start3A_78 : memref<1x80x128xf32, #tpu.memory_space<vmem>> -> memref<80x128xf32, #tpu.memory_space<vmem>>
        %dma_start3A_80 = arith.constant 0 : i32
        %dma_start3A_81 = tpu.memref_slice %arg5[%add3A_75, %dma_start3A_80] : memref<128x80xi32, #tpu.memory_space<vmem>> -> memref<1x80xi32, #tpu.memory_space<vmem>>
        %dma_start3A_82 = tpu.memref_squeeze %dma_start3A_81 : memref<1x80xi32, #tpu.memory_space<vmem>> -> memref<80xi32, #tpu.memory_space<vmem>>
        %dma_start3A_83 = arith.constant 0 : i32
        %dma_start3A_84 = arith.constant 0 : i32
        %dma_start3A_85 = tpu.memref_slice %arg3[%dma_start3A_83, %dma_start3A_84] : memref<100000x128xf32, #tpu.memory_space<hbm>> -> memref<100000x128xf32, #tpu.memory_space<hbm>>
        tpu.enqueue_indirect_dma source(%dma_start3A_85 : memref<100000x128xf32, #tpu.memory_space<hbm>>) target(%dma_start3A_79 : memref<80x128xf32, #tpu.memory_space<vmem>>) offsets(%dma_start3A_82 : memref<80xi32, #tpu.memory_space<vmem>>) semaphore(%arg8 : memref<!tpu.dma_semaphore, #tpu.memory_space<semaphore_mem>>)
      } else {
      }
      %mul3A_51 = arith.constant 2 : i32
      %mul3A_52 = arith.muli %mul3A_51, %scan3A_31 : i32
      %add3A_53 = arith.constant 1 : i32
      %add3A_54 = arith.addi %mul3A_52, %add3A_53 : i32
      %dma_wait3A_55 = arith.constant 1 : i32
      %dma_wait3A_56 = arith.constant 0 : i32
      %dma_wait3A_57 = arith.constant 0 : i32
      %dma_wait3A_58 = tpu.memref_slice %arg6[%dma_wait3A_55, %dma_wait3A_56, %dma_wait3A_57] : memref<2x80x128xf32, #tpu.memory_space<vmem>> -> memref<1x80x128xf32, #tpu.memory_space<vmem>>
      %dma_wait3A_59 = tpu.memref_squeeze %dma_wait3A_58 : memref<1x80x128xf32, #tpu.memory_space<vmem>> -> memref<80x128xf32, #tpu.memory_space<vmem>>
      %dma_wait3A_60 = arith.constant 0 : i32
      %dma_wait3A_61 = tpu.memref_slice %arg5[%add3A_54, %dma_wait3A_60] : memref<128x80xi32, #tpu.memory_space<vmem>> -> memref<1x80xi32, #tpu.memory_space<vmem>>
      %dma_wait3A_62 = tpu.memref_squeeze %dma_wait3A_61 : memref<1x80xi32, #tpu.memory_space<vmem>> -> memref<80xi32, #tpu.memory_space<vmem>>
      %dma_wait3A_63 = arith.constant 0 : i32
      %dma_wait3A_64 = arith.constant 0 : i32
      %dma_wait3A_65 = tpu.memref_slice %arg3[%dma_wait3A_63, %dma_wait3A_64] : memref<100000x128xf32, #tpu.memory_space<hbm>> -> memref<100000x128xf32, #tpu.memory_space<hbm>>
      tpu.wait_indirect_dma semaphore(%arg9 : memref<!tpu.dma_semaphore, #tpu.memory_space<semaphore_mem>>) src(%dma_wait3A_65 : memref<100000x128xf32, #tpu.memory_space<hbm>>) dst(%dma_wait3A_59 : memref<80x128xf32, #tpu.memory_space<vmem>>)
      %add3A_66 = arith.constant 2 : i32
      %add3A_67 = arith.addi %add3A_54, %add3A_66 : i32
      %lt3A_68 = arith.constant 128 : i32
      %lt3A_69 = arith.cmpi slt, %add3A_67, %lt3A_68 : i32
      %convert_element_type3A_70 = arith.extui %lt3A_69 : i1 to i32
      %cond3A_71 = arith.constant 1 : i32
      %cond3A_72 = arith.constant 0 : i32
      %cond3A_73 = arith.cmpi ne, %convert_element_type3A_70, %cond3A_72 : i32
      scf.if %cond3A_73 {
        %add3A_74 = arith.constant 2 : i32
        %add3A_75 = arith.addi %add3A_54, %add3A_74 : i32
        %dma_start3A_76 = arith.constant 0 : i32
        %dma_start3A_77 = arith.constant 0 : i32
        %dma_start3A_78 = tpu.memref_slice %arg6[%cond3A_71, %dma_start3A_76, %dma_start3A_77] : memref<2x80x128xf32, #tpu.memory_space<vmem>> -> memref<1x80x128xf32, #tpu.memory_space<vmem>>
        %dma_start3A_79 = tpu.memref_squeeze %dma_start3A_78 : memref<1x80x128xf32, #tpu.memory_space<vmem>> -> memref<80x128xf32, #tpu.memory_space<vmem>>
        %dma_start3A_80 = arith.constant 0 : i32
        %dma_start3A_81 = tpu.memref_slice %arg5[%add3A_75, %dma_start3A_80] : memref<128x80xi32, #tpu.memory_space<vmem>> -> memref<1x80xi32, #tpu.memory_space<vmem>>
        %dma_start3A_82 = tpu.memref_squeeze %dma_start3A_81 : memref<1x80xi32, #tpu.memory_space<vmem>> -> memref<80xi32, #tpu.memory_space<vmem>>
        %dma_start3A_83 = arith.constant 0 : i32
        %dma_start3A_84 = arith.constant 0 : i32
        %dma_start3A_85 = tpu.memref_slice %arg3[%dma_start3A_83, %dma_start3A_84] : memref<100000x128xf32, #tpu.memory_space<hbm>> -> memref<100000x128xf32, #tpu.memory_space<hbm>>
        tpu.enqueue_indirect_dma source(%dma_start3A_85 : memref<100000x128xf32, #tpu.memory_space<hbm>>) target(%dma_start3A_79 : memref<80x128xf32, #tpu.memory_space<vmem>>) offsets(%dma_start3A_82 : memref<80xi32, #tpu.memory_space<vmem>>) semaphore(%arg9 : memref<!tpu.dma_semaphore, #tpu.memory_space<semaphore_mem>>)
      } else {
      }
    }
    %scan3A_28 = arith.constant 64 : i32
    %mul3A_29 = arith.constant 512 : i32
    %mul3A_30 = arith.muli %add3A, %mul3A_29 : i32
    "tpu.region"() ({
      %run_scoped3A = tpu.sem_alloc : memref<!tpu.dma_semaphore, #tpu.memory_space<semaphore_mem>>
      %dma_start3A_31 = arith.constant 0 : i32
      %dma_start3A_32 = tpu.memref_slice %arg4[%mul3A_30, %dma_start3A_31] : memref<16384x128xf32, #tpu.memory_space<hbm>> -> memref<512x128xf32, #tpu.memory_space<hbm>>
      %dma_start3A_33 = arith.constant 0 : i32
      %dma_start3A_34 = tpu.memref_slice %arg4[%mul3A_30, %dma_start3A_33] : memref<16384x128xf32, #tpu.memory_space<hbm>> -> memref<512x128xf32, #tpu.memory_space<hbm>>
      tpu.enqueue_dma source(%arg7 : memref<512x128xf32, #tpu.memory_space<vmem>>) target(%dma_start3A_34 : memref<512x128xf32, #tpu.memory_space<hbm>>) target_semaphore(%run_scoped3A : memref<!tpu.dma_semaphore, #tpu.memory_space<semaphore_mem>>)
      %dma_wait3A = arith.constant 0 : i32
      %dma_wait3A_35 = tpu.memref_slice %arg4[%mul3A_30, %dma_wait3A] : memref<16384x128xf32, #tpu.memory_space<hbm>> -> memref<512x128xf32, #tpu.memory_space<hbm>>
      %dma_wait3A_36 = arith.constant 0 : i32
      %dma_wait3A_37 = tpu.memref_slice %arg4[%mul3A_30, %dma_wait3A_36] : memref<16384x128xf32, #tpu.memory_space<hbm>> -> memref<512x128xf32, #tpu.memory_space<hbm>>
      tpu.wait_dma2 semaphore(%run_scoped3A : memref<!tpu.dma_semaphore, #tpu.memory_space<semaphore_mem>>) src(%arg7 : memref<512x128xf32, #tpu.memory_space<vmem>>) dst(%dma_wait3A_37 : memref<512x128xf32, #tpu.memory_space<hbm>>)
      tpu.yield
    }) : () -> ()
    return
  }
}

module attributes {stable_mosaic.version = 14 : i64} {
  func.func @_mm_body(%arg0: i32, %arg1: memref<256x128xf32, #tpu.memory_space<vmem>>, %arg2: memref<1024x128xf32, #tpu.memory_space<vmem>>, %arg3: memref<1x1024xf32, #tpu.memory_space<vmem>>, %arg4: memref<256x1024xf32, #tpu.memory_space<vmem>>) attributes {dimension_semantics = [#tpu.dimension_semantics<arbitrary>], iteration_bounds = array<i64: 64>, scalar_prefetch = 0 : i64, scratch_operands = 0 : i64, tpu.core_type = #tpu.core_type<tc>, window_params = [{transform_indices = @transform_0, window_bounds = array<i64: 256, 128>}, {pipeline_mode = #tpu.pipeline_mode<synchronous>, transform_indices = @transform_1, window_bounds = array<i64: 1024, 128>}, {pipeline_mode = #tpu.pipeline_mode<synchronous>, transform_indices = @transform_2, window_bounds = array<i64: 1, 1024>}, {transform_indices = @transform_3, window_bounds = array<i64: 256, 1024>}]} {
    %get3A = arith.constant 0 : index
    %get3A_0 = arith.constant 0 : index
    %get3A_1 = vector.load %arg1[%get3A, %get3A_0] : memref<256x128xf32, #tpu.memory_space<vmem>>, vector<256x128xf32>
    %mul3A = arith.constant 5.000000e-02 : f32
    %mul3A_2 = vector.broadcast %mul3A : f32 to vector<256x128xf32>
    %mul3A_3 = arith.mulf %get3A_1, %mul3A_2 : vector<256x128xf32>
    %get3A_4 = arith.constant 0 : index
    %get3A_5 = arith.constant 0 : index
    %get3A_6 = vector.load %arg2[%get3A_4, %get3A_5] : memref<1024x128xf32, #tpu.memory_space<vmem>>, vector<1024x128xf32>
    %dot_general3A = arith.constant dense<0.000000e+00> : vector<256x1024xf32>
    %dot_general3A_7 = tpu.matmul %mul3A_3, %get3A_6, %dot_general3A {dimension_numbers = #tpu.dot_dimension_numbers<[1], [1], [0], [0], [0, 0, 1, 0], [], []>, transpose_lhs_hint = false} : vector<256x128xf32>, vector<1024x128xf32>, vector<256x1024xf32> -> vector<256x1024xf32>
    %get3A_8 = arith.constant 0 : index
    %get3A_9 = arith.constant 0 : index
    %get3A_10 = vector.load %arg3[%get3A_8, %get3A_9] : memref<1x1024xf32, #tpu.memory_space<vmem>>, vector<1x1024xf32>
    %add3A = vector.broadcast %get3A_10 : vector<1x1024xf32> to vector<256x1024xf32>
    %add3A_11 = arith.addf %dot_general3A_7, %add3A : vector<256x1024xf32>
    %swap3A = arith.constant 0 : index
    %swap3A_12 = arith.constant 0 : index
    %swap3A_13 = vector.load %arg4[%swap3A, %swap3A_12] : memref<256x1024xf32, #tpu.memory_space<vmem>>, vector<256x1024xf32>
    tpu.vector_store %arg4[%swap3A, %swap3A_12], %add3A_11 {strides = array<i32>} : memref<256x1024xf32, #tpu.memory_space<vmem>>, vector<256x1024xf32>,
    return
  }
  func.func @transform_0(%arg0: i32) -> (i32, i32) {
    %c0_i32 = arith.constant 0 : i32
    %c0_i32_0 = arith.constant 0 : i32
    return %arg0, %c0_i32 : i32, i32
  }
  func.func @transform_1(%arg0: i32) -> (i32, i32) {
    %c0_i32 = arith.constant 0 : i32
    %c0_i32_0 = arith.constant 0 : i32
    %c0_i32_1 = arith.constant 0 : i32
    return %c0_i32, %c0_i32_0 : i32, i32
  }
  func.func @transform_2(%arg0: i32) -> (i32, i32) {
    %c0_i32 = arith.constant 0 : i32
    %c0_i32_0 = arith.constant 0 : i32
    %c0_i32_1 = arith.constant 0 : i32
    return %c0_i32, %c0_i32_0 : i32, i32
  }
  func.func @transform_3(%arg0: i32) -> (i32, i32) {
    %c0_i32 = arith.constant 0 : i32
    %c0_i32_0 = arith.constant 0 : i32
    return %arg0, %c0_i32 : i32, i32
  }
}

</mosaic_0001>

<sc_bundles>
// kernel: kernel.4.cloned.1.call-start
scs
__scs_entry_jumppad:
0x0: {  	(pc) =	sbr.rel $0x88, $3  }
0x1: {  	(tag) =	ssettag $0x0;
	lr =	simm.s32 $0x1  }
0x2: {  	[smem:$0x3F9D] =	sst lr;
	_ =	strace $0xD0000000  }
0x3: {  	_ = 	snop  }
0x4: {  	_ = 	snop  }
0x5: {  	_ = 	snop  }
0x6: {  	_ = 	snop  }
0x7: {  	_ = 	snop  }
__scs_overlays_trampoline_lowered:
0x8: {  	[smem:$0x3FAC] =	sst s0  }
0x9: {  	[smem:$0x3FAD] =	sst s1  }
0xa: {  	[smem:$0x3FAE] =	sst s2  }
0xb: {  	[smem:$0x3FAF] =	sst s3  }
0xc: {  	[smem:$0x3FB0] =	sst s4  }
0xd: {  	[smem:$0x3FB1] =	sst s5  }
0xe: {  	[smem:$0x3FB2] =	sst s6  }
0xf: {  	[smem:$0x3FB3] =	sst s7  }
0x10: {  	[smem:$0x3FB4] =	sst s8  }
0x11: {  	[smem:$0x3FB5] =	sst s9;
	s0 =	simm.s32 @!p0 $0x0  }
0x12: {  	s1 =	sld [smem:$0x3F9B];
	s0 =	simm.s32 @p0 $0x1  }
0x13: {  	[smem:$0x3FB6] =	sst s0;
	s0 =	simm.s32 @!p1 $0x0  }
0x14: {  	s2 =	sld [smem:$0x3F9A];
	s0 =	simm.s32 @p1 $0x1  }
0x15: {  	[smem:$0x3FB7] =	sst s0;
	s0 =	simm.s32 @!p2 $0x0  }
0x16: {  	s3 =	sld [smem:$0x3FDB];
	s0 =	simm.s32 @p2 $0x1  }
0x17: {  	s4 =	simm.s32 $0x1BF5;
	[smem:$0x3FB9] =	sst s0  }
0x18: {  	s0 =	sld [smem:$0x3F9C];
	_ =	swait.ge [sflag:s4], $0x0  }
0x19: {  	s7 =	sld [smem:$0x3F9D]  }
0x1a: {  	s8 =	sadd.s32 $0xFFFFE003, lr  }
0x1b: {  	s9 =	sadd.s32 $0xFFFFFEF7, lr;
	s5 =	simm.s32 $0xFFFFFFFF;
	p2 =	slt.u32 s8, $0xFFFFF086  }
0x1c: {  	p1 =	slt.u32 s9, $0xF7A;
	s5 =	simm.s32 @!p2 $0x0  }
0x1d: {  	s5 =	simm.s32 @p1 $0x1;
	p0 =	seq.s32 s7, s2  }
0x1e: {  	s7 =	smul.u32 @!p0 $0xF7A, s2;
	p2 =	seq.s32 @!p0 s5, $0x0  }
0x1f: {  	s9 =	smul.u32 $0xF7A, s1;
	s8 =	simm.s32 @!p0 $0x1BF5;
	p2 =	por !p2, p0  }
0x20: {  	[sflag:s8] =	ssyncset.s32 @!p0 $0xFFFFF086;
	s6 =	sadd.s32 @!p0 s3, s7;
	s7 =	simm.s32 @!p0 $0x108  }
0x21: {  	s3 =	sadd.s32 s3, s9;
	s6 =	sadd.s32 @!p0 $0x88, s6;
	s7 =	simm.s32 @p2 $0x1082  }
0x22: {  	[simem:s7], [sflag:s8] =	dma.local @!p0 [hbm:s6], $0xF7A  }
0x23: {  	s9 =	sor.u32 $0xD0000000, s2;
	s6 =	simm.s32 $0x108;
	_ =	swait.ge @!p0 [sflag:s8], $0x0  }
0x24: {  	s3 =	sadd.s32 $0x88, s3;
	s6 =	simm.s32 @!p1 $0x1082;
	[sflag:s4] =	ssyncset.s32 $0xFFFFF086  }
0x25: {  	[simem:s6], [sflag:s4] =	dma.local [hbm:s3], $0xF7A  }
0x26: {  	[smem:$0x3F9D] =	sst s1;
	(tag) =	ssettag s2;
	_ =	strace s9  }
0x27: {  	s1 =	sld [smem:$0x3FAD]  }
0x28: {  	s2 =	sld [smem:$0x3FAE]  }
0x29: {  	s4 =	sld [smem:$0x3FB0]  }
0x2a: {  	p0 =	seq.s32 s5, $0x0;
	s5 =	sld [smem:$0x3FB1]  }
0x2b: {  	s6 =	sld [smem:$0x3FB2]  }
0x2c: {  	s7 =	sld [smem:$0x3FB3]  }
0x2d: {  	s3 =	simm.s32 $0x108;
	s8 =	sld [smem:$0x3FB4]  }
0x2e: {  	s3 =	simm.s32 @!p0 $0x1082;
	s9 =	sld [smem:$0x3FB5]  }
0x2f: {  	lr =	sadd.s32 s0, s3;
	s0 =	sld [smem:$0x3FAC]  }
0x30: {  	s3 =	sld [smem:$0x3FAF]  }
0x31: {  	[smem:$0x3FB8] =	sst s10  }
0x32: {  	s10 =	sld [smem:$0x3FB6];
	_ =	sdelay $0x3  }
0x33: {  	p0 =	seq.s32 s10, $0x1;
	s10 =	sld [smem:$0x3FB8];
	_ =	sdelay $0x3  }
0x34: {  	[smem:$0x3FB8] =	sst s10  }
0x35: {  	s10 =	sld [smem:$0x3FB7];
	_ =	sdelay $0x3  }
0x36: {  	p1 =	seq.s32 s10, $0x1;
	s10 =	sld [smem:$0x3FB8];
	_ =	sdelay $0x3  }
0x37: {  	[smem:$0x3FB8] =	sst s10  }
0x38: {  	s10 =	sld [smem:$0x3FB9]  }
0x39: {  	_ = 	snop;
	(pc) =	sbr.ind lr, $3  }
0x3a: {  	_ = 	snop  }
0x3b: {  	_ = 	snop  }
0x3c: {  	p2 =	seq.s32 s10, $0x1;
	s10 =	sld [smem:$0x3FB8]  }
0x3d: {  	_ =	shalt  }
0x3e: {  	_ =	shalt  }
0x3f: {  	_ =	shalt  }
0x40: {  	_ =	shalt  }
0x41: {  	_ =	shalt  }
0x42: {  	_ =	shalt  }
0x43: {  	_ =	shalt  }
0x44: {  	_ =	shalt  }
0x45: {  	_ =	shalt  }
0x46: {  	_ =	shalt  }
0x47: {  	_ =	shalt  }
0x48: {  	_ =	shalt  }
0x49: {  	_ =	shalt  }
0x4a: {  	_ =	shalt  }
0x4b: {  	_ =	shalt  }
0x4c: {  	_ =	shalt  }
0x4d: {  	_ =	shalt  }
0x4e: {  	_ =	shalt  }
0x4f: {  	_ =	shalt  }
0x50: {  	_ =	shalt  }
0x51: {  	_ =	shalt  }
0x52: {  	_ =	shalt  }
0x53: {  	_ =	shalt  }
0x54: {  	_ =	shalt  }
0x55: {  	_ =	shalt  }
0x56: {  	_ =	shalt  }
0x57: {  	_ =	shalt  }
0x58: {  	_ =	shalt  }
0x59: {  	_ =	shalt  }
0x5a: {  	_ =	shalt  }
0x5b: {  	_ =	shalt  }
0x5c: {  	_ =	shalt  }
0x5d: {  	_ =	shalt  }
0x5e: {  	_ =	shalt  }
0x5f: {  	_ =	shalt  }
0x60: {  	_ =	shalt  }
0x61: {  	_ =	shalt  }
0x62: {  	_ =	shalt  }
0x63: {  	_ =	shalt  }
0x64: {  	_ =	shalt  }
0x65: {  	_ =	shalt  }
0x66: {  	_ =	shalt  }
0x67: {  	_ =	shalt  }
0x68: {  	_ =	shalt  }
0x69: {  	_ =	shalt  }
0x6a: {  	_ =	shalt  }
0x6b: {  	_ =	shalt  }
0x6c: {  	_ =	shalt  }
0x6d: {  	_ =	shalt  }
0x6e: {  	_ =	shalt  }
0x6f: {  	_ =	shalt  }
0x70: {  	_ =	shalt  }
0x71: {  	_ =	shalt  }
0x72: {  	_ =	shalt  }
0x73: {  	_ =	shalt  }
0x74: {  	_ =	shalt  }
0x75: {  	_ =	shalt  }
0x76: {  	_ =	shalt  }
0x77: {  	_ =	shalt  }
0x78: {  	_ =	shalt  }
0x79: {  	_ =	shalt  }
0x7a: {  	_ =	shalt  }
0x7b: {  	_ =	shalt  }
0x7c: {  	_ =	shalt  }
0x7d: {  	_ =	shalt  }
0x7e: {  	_ =	shalt  }
0x7f: {  	_ =	shalt  }
0x80: {  	_ =	shalt  }
0x81: {  	_ =	shalt  }
0x82: {  	_ =	shalt  }
0x83: {  	_ =	shalt  }
0x84: {  	_ =	shalt  }
0x85: {  	_ =	shalt  }
0x86: {  	_ =	shalt  }
0x87: {  	_ =	shalt  }
.Lfunc_end0:
.L_simem_size_0:
called_computation_lowered:
.L_overlay_start_0:
0x88: {  	s2 =	sld [smem:$0x3FD9]  }
0x89: {  	s3 =	sld [smem:$0x3FFE];
	_ =	sdelay $0x1  }
0x8a: {  	s1 =	srdreg.scid  }
0x8b: {  	s0 =	sand.u32 $0x1, s1  }
0x8c: {  	s17 =	sshll.u32 s0, $0xA;
	s2 =	sadd.s32 s3, s2  }
0x8d: {  	s2 =	sadd.s32 s2, s17  }
0x8e: {  	[smem:$0x3FC4] =	sst s2  }
0x8f: {  	_ = 	snop  }
0x90: {  	s2 =	sld [smem:$0x3FC8]  }
0x91: {  	s18 =	sld [smem:$0x3FD0];
	(tm) =	ssettm $0x1  }
0x92: {  	s4 =	sld [smem:$0x3FFB];
	_ =	sdelay $0x3  }
0x93: {  	_ =	strace s4  }
0x94: {  	s4 =	sld [smem:$0x3FFC];
	_ =	sdelay $0x3  }
0x95: {  	_ =	strace s4  }
0x96: {  	s4 =	sld [smem:$0x3FFD];
	_ =	sdelay $0x3  }
0x97: {  	_ =	strace s4  }
0x98: {  	_ =	strace $0x8FFFFFFF  }
0x99: {  	s19 =	sld [smem:$0x3FDB];
	_ =	sdelay $0x1  }
0x9a: {  	s5 =	simm.s32 $_scs_section_size  }
0x9b: {  	s6 =	simm.s32 $_size__tile_overlayer_lowered;
	s7 =	simm.s32 $_tile_overlayer_lowered  }
0x9c: {  	s22 =	simm.s32 $0x1BFF;
	s21 =	sshll.u32 s7, $0x1;
	s4 =	sadd.s32 s5, s19  }
0x9d: {  	s8 =	simm.s32 $0x0;
	s20 =	sshll.u32 s6, $0x1;
	s6 =	sadd.s32 s21, s4  }
0x9e: {  	[timem:s8], [sflag:s22] =	dma.local [hbm:s6], s20  }
0x9f: {  	_ =	swait.ge [sflag:s22], s20  }
0xa0: {  	s5 =	ssub.s32 $0x0, s20;
	[sflag:s22] =	ssyncset.done $0x0  }
0xa1: {  	[sflag:s22] =	ssyncadd.s32 s5;
	_ =	sdelay $0x1  }
0xa2: {  	s23 =	simm.s32 $0x1B8B  }
0xa3: {  	_ =	swait.ge [sflag:s23], $0x1  }
0xa4: {  	[sflag:s23] =	ssyncset.done $0x0  }
0xa5: {  	s25 =	simm.s32 $0x1B8E;
	s24 =	sld [smem:$0x3FFE];
	[sflag:s23] =	ssyncadd.s32 $0xFFFFFFFF  }
0xa6: {  	s26 =	simm.s32 $execute0_lowered;
	[smem:$0x3FD2] =	sst s25  }
0xa7: {  	s6 =	sshll.u32 s26, $0x1;
	_ =	strace $0x80000046;
	[dreg:$0x1] =	wrdreg $0xFFFFFFFF  }
0xa8: {  	s28 =	simm.s32 $_size_execute0_lowered;
	s4 =	sadd.s32 s4, s6;
	[dreg:$0x0] =	wrdreg $0x0  }
0xa9: {  	s6 =	sshll.u32 s28, $0x1;
	[dreg:$0x2] =	wrdreg s4  }
0xaa: {  	[dreg:$0x3] =	wrdreg s6  }
0xab: {  	[dreg:$0x4] =	wrdreg $0xC0  }
0xac: {  	_ =	task [dreg:s8], $0x5FFFF  }
0xad: {  	[dreg:$0x1] =	wrdreg $0xFFFFFFFF  }
0xae: {  	[dreg:$0x0] =	wrdreg $0x60  }
0xaf: {  	[dreg:$0x2] =	wrdreg s24  }
0xb0: {  	[dreg:$0x3] =	wrdreg s2  }
0xb1: {  	[dreg:$0x4] =	wrdreg s18  }
0xb2: {  	[dreg:$0x5] =	wrdreg $0x9  }
0xb3: {  	_ =	task.clear_ibuf [dreg:s8], $0x6FFFF;
	_ =	strace $0x90000046  }
0xb4: {  	s29 =	simm.s32 $0x9;
	_ =	strace $0x80000048  }
0xb5: {  	_ =	swait.ge [sflag:s29], $0x1  }
0xb6: {  	[sflag:s29] =	ssyncadd.s32 $0xFFFFFFFF  }
0xb7: {  	_ =	strace $0x90000048  }
0xb8: {  	_ =	sfence  }
0xb9: {  	s30 =	sld [smem:$0x0];
	_ =	sdelay $0x2  }
0xba: {  	s31 =	sshll.u32 s1, $0xD;
	s1 =	sshrl.u32 s1, $0x2  }
0xbb: {  	s3 =	sand.u32 $0x4000, s31;
	s1 =	sadd.s32 s1, s30  }
0xbc: {  	s0 =	sor.u32 s3, s0;
	s1 =	sshll.u32 s1, $0x11  }
0xbd: {  	s0 =	sor.u32 s1, s0  }
0xbe: {  	s0 =	sadd.s32 $0x8F2B, s0  }
0xbf: {  	[sflag:s0] =	ssyncadd.remote.s32 $0x1  }
0xc0: {  	_ =	sfence.sel $0xFFFF  }
0xc1: {  	[dreg:$0x0] =	wrdreg $0xFFFFFFFF;
	(pc) =	sbr.abs _section_cstart, $3  }
0xc2: {  	[dreg:$0x1] =	wrdreg $0xFFFFFFFF  }
0xc3: {  	_ =	task.clear_ibuf [dreg:s8], $0x2FFFF;
	_ =	strace $0x9FFFFFFF  }
0xc4: {  	(tm) =	ssettm $0x7FFFFFFF  }
0xc5: {  	_ =	shalt  }
tec
execute0_lowered:
.L_overlay_start_1:
0x0: {  	(tag) =	ssettag $0x1  }
0x1: {  	s4 =	rddreg [dreg:$0x0]  }
0x2: {  	s2 =	rddreg [dreg:$0x1]  }
0x3: {  	s5 =	rddreg [dreg:$0x2]  }
0x4: {  	s0 =	rddreg [dreg:$0x3]  }
0x5: {  	s6 =	srdreg.scid;
	s1 =	stileid.u32  }
0x6: {  	s3 =	simm.s32 $0x0;
	s10 =	simm.s32 $0x80;
	s11 =	simm.s32 $0x6800  }
0x7: {  	s12 =	simm.s32 $0x1;
	s13 =	simm.s32 $0x2;
	s14 =	simm.s32 $0x9000  }
0x8: {  	s15 =	simm.s32 $0x0;
	s6 =	sand.u32 $0x1, s6;
	s7 =	sshll.u32 s1, $0x1  }
0x9: {  	[smem:$0x7FF] =	sst s3;
	s7 =	sor.u32 s6, s7;
	s6 =	ssub.s32 $0x2, s6  }
0xa: {  	_ =	strace $0x80000047;
	s8 =	sshll.u32 s7, $0xB;
	s9 =	sshrl.u32 s6, $0x1  }
0xb: {  	s7 =	sshll.u32 s7, $0xD;
	s4 =	sadd.s32 s8, s4;
	s6 =	ssub.s32 s6, s9  }
0xc: {  	s5 =	sadd.s32 s5, s7;
	s7 =	simm.s32 $0x3;
	s8 =	simm.s32 $0x50  }
0xd: {  	s9 =	simm.s32 $0x4000;
	s4 =	sadd.s32 $0xA00, s4;
	s6 =	smax.u32 s6, $0x1  }
.LBB2_1:
0xe: {  	[tilespmem:s3], [sflag:$0x3] =	stream.linear.gather [hbm4b:s4+s3], $0x4000, $0x38;
	[tilespmem:$0x19000] =	vst v63  }
0xf: {  	_ =	swait.ge [sflag:s7], $0x4000  }
0x10: {  	[sflag:s7] =	ssyncset.done $0x0  }
0x11: {  	[sflag:s7] =	ssyncadd.s32 $0xFFFFC000  }
0x12: {  	[tilespmem:s9], [sflag:$0x1] =	stream.indirect.gather [hbm4b:s2+s8], $0x80, s3, s8, $0xb8;
	[tilespmem:$0x19000] =	vst v63  }
0x13: {  	_ = 	snop  }
0x14: {  	[tilespmem:s11], [sflag:$0x2] =	stream.indirect.gather [hbm4b:s2+s8], $0x80, s10, s8, $0xb8;
	[tilespmem:$0x19000] =	vst v63  }
0x15: {  	_ =	swait.ge [sflag:s12], $0x2800  }
0x16: {  	[sflag:s12] =	ssyncset.done $0x0  }
0x17: {  	s16 =	simm.s32 $0x100;
	[sflag:s12] =	ssyncadd.s32 $0xFFFFD800  }
0x18: {  	[tilespmem:s9], [sflag:$0x1] =	stream.indirect.gather [hbm4b:s2+s8], $0x80, s16, s8, $0xb8;
	[tilespmem:$0x19000] =	vst v63  }
0x19: {  	_ =	swait.ge [sflag:s13], $0x2800  }
0x1a: {  	[sflag:s13] =	ssyncset.done $0x0  }
0x1b: {  	s17 =	simm.s32 $0x180;
	s16 =	simm.s32 $0xFFFF0800;
	[sflag:s13] =	ssyncadd.s32 $0xFFFFD800  }
.LBB2_2:
0x1c: {  	[tilespmem:s11], [sflag:$0x2] =	stream.indirect.gather [hbm4b:s2+s8], $0x80, s17, s8, $0xb8;
	[tilespmem:$0x19000] =	vst v63  }
0x1d: {  	s17 =	smov.u32 s16  }
0x1e: {  	p0 =	sne.s32 s16, $0xFFFFFC00;
	s16 =	sadd.s32 $0x400, s16;
	_ =	swait.ge [sflag:s12], $0x2800  }
0x1f: {  	s17 =	sshra.s32 s17, $0x2;
	[sflag:s12] =	ssyncset.done $0x0  }
.Ltmp0:
0x20: {  	s18 =	sadd.s32 $0x4000, s17;
	[sflag:s12] =	ssyncadd.s32 $0xFFFFD800;
	(pc) =	sbr.rel @p0 .LBB2_2-.Ltmp0, $4  }
0x21: {  	[tilespmem:s9], [sflag:$0x1] =	stream.indirect.gather [hbm4b:s2+s8], $0x80, s18, s8, $0xb8;
	[tilespmem:$0x19000] =	vst v63  }
0x22: {  	_ =	swait.ge [sflag:s13], $0x2800  }
0x23: {  	[sflag:s13] =	ssyncset.done $0x0  }
0x24: {  	s17 =	sadd.s32 $0x4080, s17;
	[sflag:s13] =	ssyncadd.s32 $0xFFFFD800  }
0x25: {  	[tilespmem:s11], [sflag:$0x2] =	stream.indirect.gather [hbm4b:s2+s8], $0x80, s17, s8, $0xb8;
	[tilespmem:$0x19000] =	vst v63  }
0x26: {  	_ =	swait.ge [sflag:s12], $0x2800  }
0x27: {  	[sflag:s12] =	ssyncset.done $0x0  }
0x28: {  	[sflag:s12] =	ssyncadd.s32 $0xFFFFD800  }
0x29: {  	s15 =	sadd.s32 $0x1, s15;
	_ =	swait.ge [sflag:s13], $0x2800  }
0x2a: {  	p0 =	sne.s32 s15, s6;
	[sflag:s13] =	ssyncset.done $0x0  }
.Ltmp1:
0x2b: {  	[sflag:s13] =	ssyncadd.s32 $0xFFFFD800;
	(pc) =	sbr.rel @p0 .LBB2_1-.Ltmp1, $4  }
0x2c: {  	[hbm4b:s5+s3] =	stream.linear.scatter [tilespmem:s14], [sflag:$0x3], $0x10000, $0x38;
	[tilespmem:$0x19000] =	vst v63  }
0x2d: {  	_ =	swait.ge [sflag:s7], $0x10000  }
0x2e: {  	[sflag:s7] =	ssyncset.done $0x0  }
0x2f: {  	[sflag:s7] =	ssyncadd.s32 $0xFFFF0000  }
0x30: {  	_ =	sfence.sel $0x180000  }
0x31: {  	[bflag:$0x0] =	sbarrier.arrive $0xFFFF  }
0x32: {  	p0 =	sne.s32 s1, $0x0;
	_ =	strace $0x90000047  }
0x33: {  	s0 =	sadd.s32 @!p0 $0x100000, s0;
	[bflag:$0x2] =	sbarrier.arrive $0xFFFF  }
0x34: {  	[sflag:s0] =	ssyncadd.tile.s32 @!p0 $0x1;
	_ =	shalt  }
.Lfunc_end2:
_tile_overlayer_lowered:
.L_overlay_start_2:
0x35: {  	(tag) =	ssettag $0x2  }
0x36: {  	s0 =	rddreg [dreg:$0x0];
	s2 =	stileid.u32  }
0x37: {  	s1 =	rddreg [dreg:$0x1];
	p0 =	sne.s32 s2, $0x0  }
0x38: {  	s3 =	rddreg [dreg:$0x2];
	[bflag:$0x3] =	sbarrier.arrive $0xFFFF;
	s2 =	simm.s32 @!p0 $0x1C03  }
0x39: {  	[timem:s3], [sflag:s2] =	dma.local @!p0 [hbm:s0], s1  }
0x3a: {  	s0 =	simm.s32 @!p0 $0x3  }
0x3b: {  	_ =	swait.ge @!p0 [sflag:s0], s1  }
0x3c: {  	s1 =	ssub.s32 @!p0 $0x0, s1;
	[sflag:s0] =	ssyncset.done @!p0 $0x0  }
0x3d: {  	[sflag:s0] =	ssyncadd.s32 @!p0 s1  }
0x3e: {  	[bflag:$0x3] =	sbarrier.arrive $0xFFFF  }
0x3f: {  	_ =	shalt  }

</sc_bundles>
